<compile_context>
chip_gen: v7x
topology: tpu7x:2x2x1
jax: 0.10.2.dev20260603
libtpu: 0.0.44.dev20260713+nightly
codegen_flags: <defaults>
</compile_context>

<pallas_src>
import functools

import jax
import jax.numpy as jnp
from jax import lax
from jax.experimental import pallas as pl
from jax.experimental.pallas import tpu as pltpu
from jax.experimental.pallas import tpu_sc as plsc

B, N, P, E = 64, 4, 197, 768
POOL = 8192
PLEN = 8
K = 5
ROWS = B * N
ROW_BLK = 16
B_BLK = ROW_BLK // N
GRID = ROWS // ROW_BLK
PK_BLK = POOL // GRID
SIM_BLK = 2048


XM_SC_ROWS = 128
XM_TC_ROWS = ROWS - XM_SC_ROWS
B0_BLK = (XM_SC_ROWS // N) // B_BLK
TC_GRID = (XM_TC_ROWS // N) // B_BLK
POOL_BLK = 2048
POOL_GRID = POOL // POOL_BLK


def _mean_tc_body(x_ref, xm_ref):
    xb = x_ref[...].reshape(ROW_BLK, P, E)
    xm_ref[...] = jnp.sum(xb, axis=1) * (1.0 / P)


def _mean_tc(x):
    return pl.pallas_call(
        _mean_tc_body,
        grid=(TC_GRID,),
        in_specs=[pl.BlockSpec((B_BLK, N, P, E),
                               lambda i: (i + B0_BLK, 0, 0, 0))],
        out_specs=pl.BlockSpec((ROW_BLK, E), lambda i: (i, 0)),
        out_shape=jax.ShapeDtypeStruct((XM_TC_ROWS, E), jnp.float32),
    )(x)


def _sim_topk_body(xma_ref, xmb_ref, pk_ref, idx_ref, sim_ref):
    j = pl.program_id(0)
    xm = jnp.concatenate([xma_ref[...], xmb_ref[...]], axis=0)
    sim_ref[:, pl.ds(j * POOL_BLK, POOL_BLK)] = lax.dot_general(
        xm, pk_ref[...],
        dimension_numbers=(((1,), (1,)), ((), ())),
        preferred_element_type=jnp.float32,
    )

    @pl.when(j == POOL_GRID - 1)
    def _topk():
        sim = sim_ref[...]
        iota = lax.broadcasted_iota(jnp.int32, sim.shape, 1)
        big = jnp.int32(2 ** 30)
        cols = []
        for _ in range(K):
            m = jnp.max(sim, axis=1, keepdims=True)
            cand = jnp.where(sim >= m, iota, big)
            ik = jnp.min(cand, axis=1)
            cols.append(ik[:, None])
            sim = jnp.where(iota == ik[:, None], -jnp.inf, sim)
        idx_ref[...] = jnp.concatenate(cols, axis=1)


def _sim_topk(xma, xmb, prompt_key):
    return pl.pallas_call(
        _sim_topk_body,
        grid=(POOL_GRID,),
        in_specs=[
            pl.BlockSpec((XM_SC_ROWS, E), lambda j: (0, 0)),
            pl.BlockSpec((XM_TC_ROWS, E), lambda j: (0, 0)),
            pl.BlockSpec((POOL_BLK, E), lambda j: (j, 0)),
        ],
        out_specs=pl.BlockSpec((ROWS, K), lambda j: (0, 0)),
        out_shape=jax.ShapeDtypeStruct((ROWS, K), jnp.int32),
        scratch_shapes=[pltpu.VMEM((ROWS, POOL), jnp.float32)],
    )(xma, xmb, prompt_key)


_NC, _NS = 2, 16
NW = _NC * _NS
G = ROWS * K
PER_W = G // NW
CH = 8
NCH = PER_W // CH
LANES = 128


SLAB_W = XM_SC_ROWS // NW
LCH = 128
NLC = E // LCH
ACCV = LCH // 16


@functools.cache
def _make_mean_sc():
    mesh = plsc.VectorSubcoreMesh(core_axis_name="c", subcore_axis_name="s")

    @functools.partial(
        pl.kernel,
        mesh=mesh,
        out_type=jax.ShapeDtypeStruct((XM_SC_ROWS, E), jnp.float32),
        scratch_types=[
            pltpu.VMEM((P, LCH), jnp.float32),
            pltpu.VMEM((LCH,), jnp.float32),
        ],
        compiler_params=pltpu.CompilerParams(use_tc_tiling_on_sc=True),
    )
    def _mean_sc(x_hbm, xm_hbm, buf, accb):
        wid = lax.axis_index("s") * _NC + lax.axis_index("c")
        base = wid * SLAB_W

        def chunk_body(it, carry):
            r = it // NLC
            c = it % NLC
            row = base + r
            b = row // N
            nn = row % N
            pltpu.sync_copy(x_hbm.at[b, nn, :, pl.ds(c * LCH, LCH)], buf)
            accs = [jnp.zeros((16,), jnp.float32) for _ in range(ACCV)]
            for rr in range(P):
                for u in range(ACCV):
                    accs[u] = accs[u] + buf[rr, pl.ds(u * 16, 16)]
            scale = jnp.float32(1.0 / P)
            for u in range(ACCV):
                accb[pl.ds(u * 16, 16)] = accs[u] * scale
            pltpu.sync_copy(accb, xm_hbm.at[row, pl.ds(c * LCH, LCH)])
            return carry

        lax.fori_loop(0, SLAB_W * NLC, chunk_body, 0)

    return _mean_sc


@functools.cache
def _make_gather_sc():
    mesh = plsc.VectorSubcoreMesh(core_axis_name="c", subcore_axis_name="s")

    @functools.partial(
        pl.kernel,
        mesh=mesh,
        out_type=jax.ShapeDtypeStruct((G, PLEN, E), jnp.float32),
        scratch_types=[
            pltpu.VMEM((LANES,), jnp.int32),
            pltpu.VMEM((CH, PLEN, E), jnp.float32),
            pltpu.VMEM((CH, PLEN, E), jnp.float32),
            pltpu.SemaphoreType.DMA,
            pltpu.SemaphoreType.DMA,
        ],
        compiler_params=pltpu.CompilerParams(use_tc_tiling_on_sc=True),
    )
    def _gather_sc(table_hbm, idx_hbm, out_hbm, idx_v, buf0, buf1, sem0, sem1):
        wid = lax.axis_index("s") * _NC + lax.axis_index("c")
        base = wid * PER_W
        pltpu.sync_copy(idx_hbm.at[wid], idx_v)
        bufs = (buf0, buf1)
        sems = (sem0, sem1)
        cps = [None, None]

        def start(c):
            s = c % 2
            cps[s] = pltpu.async_copy(
                table_hbm.at[idx_v.at[pl.ds(c * CH, CH)]], bufs[s], sems[s])

        start(0)
        for c in range(NCH):
            if c + 1 < NCH:
                start(c + 1)
            s = c % 2
            cps[s].wait()
            pltpu.sync_copy(bufs[s], out_hbm.at[pl.ds(base + c * CH, CH)])

    return _gather_sc


def kernel(x, prompt_key, prompt_value):
    idx_c = (jax.lax.iota(jnp.int32, NW)[:, None] * 40
             + jax.lax.iota(jnp.int32, LANES)[None, :]) % POOL
    rows_p = _make_gather_sc()(prompt_value, idx_c)
    xmb_p = _mean_tc(x)
    return rows_p, xmb_p
    xma = _make_mean_sc()(x)
    xmb = _mean_tc(x)
    idx = _sim_topk(xma, xmb, prompt_key)
    idx_w = jnp.pad(idx.reshape(NW, PER_W), ((0, 0), (0, LANES - PER_W)))
    rows = _make_gather_sc()(prompt_value, idx_w)
    return rows.reshape(B, N, K, PLEN, E)

# --- scband reference (transcript-rebuilt; emitter-appended) ---
"""Pipeline reference for scband-prompt-41274635714742 (READ-ONLY COPY).

The authoritative reference and input builder live on the scoring server;
editing this copy changes nothing except your own understanding.
"""

import jax, jax.numpy as jnp
import numpy as np

POOL_SIZE = 8192
PROMPT_LENGTH = 8
EMBED_DIM = 768
TOP_K = 5

def setup_inputs(seed: int = 0) -> dict:
    key = jax.random.key(seed)
    k1, k2, k3 = jax.random.split(key, 3)
    x = jax.random.normal(k1, (64, 4, 197, EMBED_DIM), dtype=jnp.float32)
    # key_init='uniform' and prompt_init='uniform' -> uniform_(-1, 1)
    prompt_key = jax.random.uniform(k2, (POOL_SIZE, EMBED_DIM), dtype=jnp.float32, minval=-1.0, maxval=1.0)
    prompt_value = jax.random.uniform(k3, (POOL_SIZE, PROMPT_LENGTH, EMBED_DIM), dtype=jnp.float32, minval=-1.0, maxval=1.0)
    return {"x": x, "prompt_key": prompt_key, "prompt_value": prompt_value}

def reference(x, prompt_key, prompt_value):
    # embedding_key == 'mean': reduce over patch dim P (axis=2)
    xm = jnp.mean(x, axis=2)  # (B, N, E)
    # prompt_share == True: similarity = x @ prompt_key.T
    similarity = jnp.einsum('bne,pe->bnp', xm, prompt_key)  # (B, N, pool_size)
    _, idx = jax.lax.top_k(similarity, TOP_K)  # (B, N, top_k)
    # shared gather: prompt_value[idx] -> (B, N, top_k, prompt_length, embed_dim)
    prompt = jnp.take(prompt_value, idx, axis=0)
    return prompt

if __name__ == "__main__":
    import jax
    _d = setup_inputs()
    print(jax.jit(kernel)(*tuple(_d.values())))

</pallas_src>

<mosaic_0001>
#map = affine_map<(d0, d1) -> (0, 0, 0)>
#map1 = affine_map<(d0, d1) -> (0, 0)>
module attributes {stable_mosaic.version = 14 : i64} {
  func.func @_gather_sc(%arg0: i32, %arg1: i32, %arg2: memref<8192x8x768xf32, #tpu.memory_space<hbm>>, %arg3: memref<32x128xi32, #tpu.memory_space<hbm>>, %arg4: memref<1280x8x768xf32, #tpu.memory_space<hbm>>, %arg5: memref<128xi32, #tpu.memory_space<vmem>>, %arg6: memref<8x8x768xf32, #tpu.memory_space<vmem>>, %arg7: memref<8x8x768xf32, #tpu.memory_space<vmem>>, %arg8: memref<!tpu.dma_semaphore, #tpu.memory_space<semaphore_mem>>, %arg9: memref<!tpu.dma_semaphore, #tpu.memory_space<semaphore_mem>>) attributes {dimension_semantics = [#tpu.dimension_semantics<core_parallel>, #tpu.dimension_semantics<subcore_parallel>], iteration_bounds = array<i64: 2, 16>, scalar_prefetch = 0 : i64, scratch_operands = 5 : i64, tpu.core_type = #tpu.core_type<sc_vector_subcore>, window_params = [{transform_indices = #map}, {transform_indices = #map1}, {transform_indices = #map}]} {
    %mul3A = arith.constant 2 : i32
    %mul3A_0 = arith.muli %arg1, %mul3A : i32
    %add3A = arith.addi %mul3A_0, %arg0 : i32
    %mul3A_1 = arith.constant 40 : i32
    %mul3A_2 = arith.muli %add3A, %mul3A_1 : i32
    "tpu.region"() ({
      %run_scoped3A = tpu.sem_alloc : memref<!tpu.dma_semaphore, #tpu.memory_space<semaphore_mem>>
      %dma_start3A_71 = arith.constant 0 : i32
      %dma_start3A_72 = tpu.memref_slice %arg3[%add3A, %dma_start3A_71] : memref<32x128xi32, #tpu.memory_space<hbm>> -> memref<1x128xi32, #tpu.memory_space<hbm>>
      %dma_start3A_73 = tpu.memref_squeeze %dma_start3A_72 : memref<1x128xi32, #tpu.memory_space<hbm>> -> memref<128xi32, #tpu.memory_space<hbm>>
      %dma_start3A_74 = arith.constant 0 : i32
      %dma_start3A_75 = tpu.memref_slice %arg3[%add3A, %dma_start3A_74] : memref<32x128xi32, #tpu.memory_space<hbm>> -> memref<1x128xi32, #tpu.memory_space<hbm>>
      %dma_start3A_76 = tpu.memref_squeeze %dma_start3A_75 : memref<1x128xi32, #tpu.memory_space<hbm>> -> memref<128xi32, #tpu.memory_space<hbm>>
      tpu.enqueue_dma source(%dma_start3A_76 : memref<128xi32, #tpu.memory_space<hbm>>) target(%arg5 : memref<128xi32, #tpu.memory_space<vmem>>) target_semaphore(%run_scoped3A : memref<!tpu.dma_semaphore, #tpu.memory_space<semaphore_mem>>)
      %dma_wait3A_77 = arith.constant 0 : i32
      %dma_wait3A_78 = tpu.memref_slice %arg3[%add3A, %dma_wait3A_77] : memref<32x128xi32, #tpu.memory_space<hbm>> -> memref<1x128xi32, #tpu.memory_space<hbm>>
      %dma_wait3A_79 = tpu.memref_squeeze %dma_wait3A_78 : memref<1x128xi32, #tpu.memory_space<hbm>> -> memref<128xi32, #tpu.memory_space<hbm>>
      %dma_wait3A_80 = arith.constant 0 : i32
      %dma_wait3A_81 = tpu.memref_slice %arg3[%add3A, %dma_wait3A_80] : memref<32x128xi32, #tpu.memory_space<hbm>> -> memref<1x128xi32, #tpu.memory_space<hbm>>
      %dma_wait3A_82 = tpu.memref_squeeze %dma_wait3A_81 : memref<1x128xi32, #tpu.memory_space<hbm>> -> memref<128xi32, #tpu.memory_space<hbm>>
      tpu.wait_dma2 semaphore(%run_scoped3A : memref<!tpu.dma_semaphore, #tpu.memory_space<semaphore_mem>>) src(%dma_wait3A_82 : memref<128xi32, #tpu.memory_space<hbm>>) dst(%arg5 : memref<128xi32, #tpu.memory_space<vmem>>)
      tpu.yield
    }) : () -> ()
    %dma_start3A = arith.constant 0 : i32
    %dma_start3A_3 = tpu.memref_slice %arg5[%dma_start3A] : memref<128xi32, #tpu.memory_space<vmem>> -> memref<8xi32, #tpu.memory_space<vmem>>
    %dma_start3A_4 = arith.constant 0 : i32
    %dma_start3A_5 = arith.constant 0 : i32
    %dma_start3A_6 = arith.constant 0 : i32
    %dma_start3A_7 = tpu.memref_slice %arg2[%dma_start3A_4, %dma_start3A_5, %dma_start3A_6] : memref<8192x8x768xf32, #tpu.memory_space<hbm>> -> memref<8192x8x768xf32, #tpu.memory_space<hbm>>
    tpu.enqueue_indirect_dma source(%dma_start3A_7 : memref<8192x8x768xf32, #tpu.memory_space<hbm>>) target(%arg6 : memref<8x8x768xf32, #tpu.memory_space<vmem>>) offsets(%dma_start3A_3 : memref<8xi32, #tpu.memory_space<vmem>>) semaphore(%arg8 : memref<!tpu.dma_semaphore, #tpu.memory_space<semaphore_mem>>)
    %dma_start3A_8 = arith.constant 8 : i32
    %dma_start3A_9 = tpu.memref_slice %arg5[%dma_start3A_8] : memref<128xi32, #tpu.memory_space<vmem>> -> memref<8xi32, #tpu.memory_space<vmem>>
    %dma_start3A_10 = arith.constant 0 : i32
    %dma_start3A_11 = arith.constant 0 : i32
    %dma_start3A_12 = arith.constant 0 : i32
    %dma_start3A_13 = tpu.memref_slice %arg2[%dma_start3A_10, %dma_start3A_11, %dma_start3A_12] : memref<8192x8x768xf32, #tpu.memory_space<hbm>> -> memref<8192x8x768xf32, #tpu.memory_space<hbm>>
    tpu.enqueue_indirect_dma source(%dma_start3A_13 : memref<8192x8x768xf32, #tpu.memory_space<hbm>>) target(%arg7 : memref<8x8x768xf32, #tpu.memory_space<vmem>>) offsets(%dma_start3A_9 : memref<8xi32, #tpu.memory_space<vmem>>) semaphore(%arg9 : memref<!tpu.dma_semaphore, #tpu.memory_space<semaphore_mem>>)
    %dma_wait3A = arith.constant 0 : i32
    %dma_wait3A_14 = tpu.memref_slice %arg5[%dma_wait3A] : memref<128xi32, #tpu.memory_space<vmem>> -> memref<8xi32, #tpu.memory_space<vmem>>
    %dma_wait3A_15 = arith.constant 0 : i32
    %dma_wait3A_16 = arith.constant 0 : i32
    %dma_wait3A_17 = arith.constant 0 : i32
    %dma_wait3A_18 = tpu.memref_slice %arg2[%dma_wait3A_15, %dma_wait3A_16, %dma_wait3A_17] : memref<8192x8x768xf32, #tpu.memory_space<hbm>> -> memref<8192x8x768xf32, #tpu.memory_space<hbm>>
    tpu.wait_indirect_dma semaphore(%arg8 : memref<!tpu.dma_semaphore, #tpu.memory_space<semaphore_mem>>) src(%dma_wait3A_18 : memref<8192x8x768xf32, #tpu.memory_space<hbm>>) dst(%arg6 : memref<8x8x768xf32, #tpu.memory_space<vmem>>)
    %add3A_19 = arith.constant 0 : i32
    %add3A_20 = arith.addi %mul3A_2, %add3A_19 : i32
    "tpu.region"() ({
      %run_scoped3A = tpu.sem_alloc : memref<!tpu.dma_semaphore, #tpu.memory_space<semaphore_mem>>
      %dma_start3A_71 = arith.constant 0 : i32
      %dma_start3A_72 = arith.constant 0 : i32
      %dma_start3A_73 = tpu.memref_slice %arg4[%add3A_20, %dma_start3A_71, %dma_start3A_72] : memref<1280x8x768xf32, #tpu.memory_space<hbm>> -> memref<8x8x768xf32, #tpu.memory_space<hbm>>
      %dma_start3A_74 = arith.constant 0 : i32
      %dma_start3A_75 = arith.constant 0 : i32
      %dma_start3A_76 = tpu.memref_slice %arg4[%add3A_20, %dma_start3A_74, %dma_start3A_75] : memref<1280x8x768xf32, #tpu.memory_space<hbm>> -> memref<8x8x768xf32, #tpu.memory_space<hbm>>
      tpu.enqueue_dma source(%arg6 : memref<8x8x768xf32, #tpu.memory_space<vmem>>) target(%dma_start3A_76 : memref<8x8x768xf32, #tpu.memory_space<hbm>>) target_semaphore(%run_scoped3A : memref<!tpu.dma_semaphore, #tpu.memory_space<semaphore_mem>>)
      %dma_wait3A_77 = arith.constant 0 : i32
      %dma_wait3A_78 = arith.constant 0 : i32
      %dma_wait3A_79 = tpu.memref_slice %arg4[%add3A_20, %dma_wait3A_77, %dma_wait3A_78] : memref<1280x8x768xf32, #tpu.memory_space<hbm>> -> memref<8x8x768xf32, #tpu.memory_space<hbm>>
      %dma_wait3A_80 = arith.constant 0 : i32
      %dma_wait3A_81 = arith.constant 0 : i32
      %dma_wait3A_82 = tpu.memref_slice %arg4[%add3A_20, %dma_wait3A_80, %dma_wait3A_81] : memref<1280x8x768xf32, #tpu.memory_space<hbm>> -> memref<8x8x768xf32, #tpu.memory_space<hbm>>
      tpu.wait_dma2 semaphore(%run_scoped3A : memref<!tpu.dma_semaphore, #tpu.memory_space<semaphore_mem>>) src(%arg6 : memref<8x8x768xf32, #tpu.memory_space<vmem>>) dst(%dma_wait3A_82 : memref<8x8x768xf32, #tpu.memory_space<hbm>>)
      tpu.yield
    }) : () -> ()
    %dma_start3A_21 = arith.constant 16 : i32
    %dma_start3A_22 = tpu.memref_slice %arg5[%dma_start3A_21] : memref<128xi32, #tpu.memory_space<vmem>> -> memref<8xi32, #tpu.memory_space<vmem>>
    %dma_start3A_23 = arith.constant 0 : i32
    %dma_start3A_24 = arith.constant 0 : i32
    %dma_start3A_25 = arith.constant 0 : i32
    %dma_start3A_26 = tpu.memref_slice %arg2[%dma_start3A_23, %dma_start3A_24, %dma_start3A_25] : memref<8192x8x768xf32, #tpu.memory_space<hbm>> -> memref<8192x8x768xf32, #tpu.memory_space<hbm>>
    tpu.enqueue_indirect_dma source(%dma_start3A_26 : memref<8192x8x768xf32, #tpu.memory_space<hbm>>) target(%arg6 : memref<8x8x768xf32, #tpu.memory_space<vmem>>) offsets(%dma_start3A_22 : memref<8xi32, #tpu.memory_space<vmem>>) semaphore(%arg8 : memref<!tpu.dma_semaphore, #tpu.memory_space<semaphore_mem>>)
    %dma_wait3A_27 = arith.constant 8 : i32
    %dma_wait3A_28 = tpu.memref_slice %arg5[%dma_wait3A_27] : memref<128xi32, #tpu.memory_space<vmem>> -> memref<8xi32, #tpu.memory_space<vmem>>
    %dma_wait3A_29 = arith.constant 0 : i32
    %dma_wait3A_30 = arith.constant 0 : i32
    %dma_wait3A_31 = arith.constant 0 : i32
    %dma_wait3A_32 = tpu.memref_slice %arg2[%dma_wait3A_29, %dma_wait3A_30, %dma_wait3A_31] : memref<8192x8x768xf32, #tpu.memory_space<hbm>> -> memref<8192x8x768xf32, #tpu.memory_space<hbm>>
    tpu.wait_indirect_dma semaphore(%arg9 : memref<!tpu.dma_semaphore, #tpu.memory_space<semaphore_mem>>) src(%dma_wait3A_32 : memref<8192x8x768xf32, #tpu.memory_space<hbm>>) dst(%arg7 : memref<8x8x768xf32, #tpu.memory_space<vmem>>)
    %add3A_33 = arith.constant 8 : i32
    %add3A_34 = arith.addi %mul3A_2, %add3A_33 : i32
    "tpu.region"() ({
      %run_scoped3A = tpu.sem_alloc : memref<!tpu.dma_semaphore, #tpu.memory_space<semaphore_mem>>
      %dma_start3A_71 = arith.constant 0 : i32
      %dma_start3A_72 = arith.constant 0 : i32
      %dma_start3A_73 = tpu.memref_slice %arg4[%add3A_34, %dma_start3A_71, %dma_start3A_72] : memref<1280x8x768xf32, #tpu.memory_space<hbm>> -> memref<8x8x768xf32, #tpu.memory_space<hbm>>
      %dma_start3A_74 = arith.constant 0 : i32
      %dma_start3A_75 = arith.constant 0 : i32
      %dma_start3A_76 = tpu.memref_slice %arg4[%add3A_34, %dma_start3A_74, %dma_start3A_75] : memref<1280x8x768xf32, #tpu.memory_space<hbm>> -> memref<8x8x768xf32, #tpu.memory_space<hbm>>
      tpu.enqueue_dma source(%arg7 : memref<8x8x768xf32, #tpu.memory_space<vmem>>) target(%dma_start3A_76 : memref<8x8x768xf32, #tpu.memory_space<hbm>>) target_semaphore(%run_scoped3A : memref<!tpu.dma_semaphore, #tpu.memory_space<semaphore_mem>>)
      %dma_wait3A_77 = arith.constant 0 : i32
      %dma_wait3A_78 = arith.constant 0 : i32
      %dma_wait3A_79 = tpu.memref_slice %arg4[%add3A_34, %dma_wait3A_77, %dma_wait3A_78] : memref<1280x8x768xf32, #tpu.memory_space<hbm>> -> memref<8x8x768xf32, #tpu.memory_space<hbm>>
      %dma_wait3A_80 = arith.constant 0 : i32
      %dma_wait3A_81 = arith.constant 0 : i32
      %dma_wait3A_82 = tpu.memref_slice %arg4[%add3A_34, %dma_wait3A_80, %dma_wait3A_81] : memref<1280x8x768xf32, #tpu.memory_space<hbm>> -> memref<8x8x768xf32, #tpu.memory_space<hbm>>
      tpu.wait_dma2 semaphore(%run_scoped3A : memref<!tpu.dma_semaphore, #tpu.memory_space<semaphore_mem>>) src(%arg7 : memref<8x8x768xf32, #tpu.memory_space<vmem>>) dst(%dma_wait3A_82 : memref<8x8x768xf32, #tpu.memory_space<hbm>>)
      tpu.yield
    }) : () -> ()
    %dma_start3A_35 = arith.constant 24 : i32
    %dma_start3A_36 = tpu.memref_slice %arg5[%dma_start3A_35] : memref<128xi32, #tpu.memory_space<vmem>> -> memref<8xi32, #tpu.memory_space<vmem>>
    %dma_start3A_37 = arith.constant 0 : i32
    %dma_start3A_38 = arith.constant 0 : i32
    %dma_start3A_39 = arith.constant 0 : i32
    %dma_start3A_40 = tpu.memref_slice %arg2[%dma_start3A_37, %dma_start3A_38, %dma_start3A_39] : memref<8192x8x768xf32, #tpu.memory_space<hbm>> -> memref<8192x8x768xf32, #tpu.memory_space<hbm>>
    tpu.enqueue_indirect_dma source(%dma_start3A_40 : memref<8192x8x768xf32, #tpu.memory_space<hbm>>) target(%arg7 : memref<8x8x768xf32, #tpu.memory_space<vmem>>) offsets(%dma_start3A_36 : memref<8xi32, #tpu.memory_space<vmem>>) semaphore(%arg9 : memref<!tpu.dma_semaphore, #tpu.memory_space<semaphore_mem>>)
    %dma_wait3A_41 = arith.constant 16 : i32
    %dma_wait3A_42 = tpu.memref_slice %arg5[%dma_wait3A_41] : memref<128xi32, #tpu.memory_space<vmem>> -> memref<8xi32, #tpu.memory_space<vmem>>
    %dma_wait3A_43 = arith.constant 0 : i32
    %dma_wait3A_44 = arith.constant 0 : i32
    %dma_wait3A_45 = arith.constant 0 : i32
    %dma_wait3A_46 = tpu.memref_slice %arg2[%dma_wait3A_43, %dma_wait3A_44, %dma_wait3A_45] : memref<8192x8x768xf32, #tpu.memory_space<hbm>> -> memref<8192x8x768xf32, #tpu.memory_space<hbm>>
    tpu.wait_indirect_dma semaphore(%arg8 : memref<!tpu.dma_semaphore, #tpu.memory_space<semaphore_mem>>) src(%dma_wait3A_46 : memref<8192x8x768xf32, #tpu.memory_space<hbm>>) dst(%arg6 : memref<8x8x768xf32, #tpu.memory_space<vmem>>)
    %add3A_47 = arith.constant 16 : i32
    %add3A_48 = arith.addi %mul3A_2, %add3A_47 : i32
    "tpu.region"() ({
      %run_scoped3A = tpu.sem_alloc : memref<!tpu.dma_semaphore, #tpu.memory_space<semaphore_mem>>
      %dma_start3A_71 = arith.constant 0 : i32
      %dma_start3A_72 = arith.constant 0 : i32
      %dma_start3A_73 = tpu.memref_slice %arg4[%add3A_48, %dma_start3A_71, %dma_start3A_72] : memref<1280x8x768xf32, #tpu.memory_space<hbm>> -> memref<8x8x768xf32, #tpu.memory_space<hbm>>
      %dma_start3A_74 = arith.constant 0 : i32
      %dma_start3A_75 = arith.constant 0 : i32
      %dma_start3A_76 = tpu.memref_slice %arg4[%add3A_48, %dma_start3A_74, %dma_start3A_75] : memref<1280x8x768xf32, #tpu.memory_space<hbm>> -> memref<8x8x768xf32, #tpu.memory_space<hbm>>
      tpu.enqueue_dma source(%arg6 : memref<8x8x768xf32, #tpu.memory_space<vmem>>) target(%dma_start3A_76 : memref<8x8x768xf32, #tpu.memory_space<hbm>>) target_semaphore(%run_scoped3A : memref<!tpu.dma_semaphore, #tpu.memory_space<semaphore_mem>>)
      %dma_wait3A_77 = arith.constant 0 : i32
      %dma_wait3A_78 = arith.constant 0 : i32
      %dma_wait3A_79 = tpu.memref_slice %arg4[%add3A_48, %dma_wait3A_77, %dma_wait3A_78] : memref<1280x8x768xf32, #tpu.memory_space<hbm>> -> memref<8x8x768xf32, #tpu.memory_space<hbm>>
      %dma_wait3A_80 = arith.constant 0 : i32
      %dma_wait3A_81 = arith.constant 0 : i32
      %dma_wait3A_82 = tpu.memref_slice %arg4[%add3A_48, %dma_wait3A_80, %dma_wait3A_81] : memref<1280x8x768xf32, #tpu.memory_space<hbm>> -> memref<8x8x768xf32, #tpu.memory_space<hbm>>
      tpu.wait_dma2 semaphore(%run_scoped3A : memref<!tpu.dma_semaphore, #tpu.memory_space<semaphore_mem>>) src(%arg6 : memref<8x8x768xf32, #tpu.memory_space<vmem>>) dst(%dma_wait3A_82 : memref<8x8x768xf32, #tpu.memory_space<hbm>>)
      tpu.yield
    }) : () -> ()
    %dma_start3A_49 = arith.constant 32 : i32
    %dma_start3A_50 = tpu.memref_slice %arg5[%dma_start3A_49] : memref<128xi32, #tpu.memory_space<vmem>> -> memref<8xi32, #tpu.memory_space<vmem>>
    %dma_start3A_51 = arith.constant 0 : i32
    %dma_start3A_52 = arith.constant 0 : i32
    %dma_start3A_53 = arith.constant 0 : i32
    %dma_start3A_54 = tpu.memref_slice %arg2[%dma_start3A_51, %dma_start3A_52, %dma_start3A_53] : memref<8192x8x768xf32, #tpu.memory_space<hbm>> -> memref<8192x8x768xf32, #tpu.memory_space<hbm>>
    tpu.enqueue_indirect_dma source(%dma_start3A_54 : memref<8192x8x768xf32, #tpu.memory_space<hbm>>) target(%arg6 : memref<8x8x768xf32, #tpu.memory_space<vmem>>) offsets(%dma_start3A_50 : memref<8xi32, #tpu.memory_space<vmem>>) semaphore(%arg8 : memref<!tpu.dma_semaphore, #tpu.memory_space<semaphore_mem>>)
    %dma_wait3A_55 = arith.constant 24 : i32
    %dma_wait3A_56 = tpu.memref_slice %arg5[%dma_wait3A_55] : memref<128xi32, #tpu.memory_space<vmem>> -> memref<8xi32, #tpu.memory_space<vmem>>
    %dma_wait3A_57 = arith.constant 0 : i32
    %dma_wait3A_58 = arith.constant 0 : i32
    %dma_wait3A_59 = arith.constant 0 : i32
    %dma_wait3A_60 = tpu.memref_slice %arg2[%dma_wait3A_57, %dma_wait3A_58, %dma_wait3A_59] : memref<8192x8x768xf32, #tpu.memory_space<hbm>> -> memref<8192x8x768xf32, #tpu.memory_space<hbm>>
    tpu.wait_indirect_dma semaphore(%arg9 : memref<!tpu.dma_semaphore, #tpu.memory_space<semaphore_mem>>) src(%dma_wait3A_60 : memref<8192x8x768xf32, #tpu.memory_space<hbm>>) dst(%arg7 : memref<8x8x768xf32, #tpu.memory_space<vmem>>)
    %add3A_61 = arith.constant 24 : i32
    %add3A_62 = arith.addi %mul3A_2, %add3A_61 : i32
    "tpu.region"() ({
      %run_scoped3A = tpu.sem_alloc : memref<!tpu.dma_semaphore, #tpu.memory_space<semaphore_mem>>
      %dma_start3A_71 = arith.constant 0 : i32
      %dma_start3A_72 = arith.constant 0 : i32
      %dma_start3A_73 = tpu.memref_slice %arg4[%add3A_62, %dma_start3A_71, %dma_start3A_72] : memref<1280x8x768xf32, #tpu.memory_space<hbm>> -> memref<8x8x768xf32, #tpu.memory_space<hbm>>
      %dma_start3A_74 = arith.constant 0 : i32
      %dma_start3A_75 = arith.constant 0 : i32
      %dma_start3A_76 = tpu.memref_slice %arg4[%add3A_62, %dma_start3A_74, %dma_start3A_75] : memref<1280x8x768xf32, #tpu.memory_space<hbm>> -> memref<8x8x768xf32, #tpu.memory_space<hbm>>
      tpu.enqueue_dma source(%arg7 : memref<8x8x768xf32, #tpu.memory_space<vmem>>) target(%dma_start3A_76 : memref<8x8x768xf32, #tpu.memory_space<hbm>>) target_semaphore(%run_scoped3A : memref<!tpu.dma_semaphore, #tpu.memory_space<semaphore_mem>>)
      %dma_wait3A_77 = arith.constant 0 : i32
      %dma_wait3A_78 = arith.constant 0 : i32
      %dma_wait3A_79 = tpu.memref_slice %arg4[%add3A_62, %dma_wait3A_77, %dma_wait3A_78] : memref<1280x8x768xf32, #tpu.memory_space<hbm>> -> memref<8x8x768xf32, #tpu.memory_space<hbm>>
      %dma_wait3A_80 = arith.constant 0 : i32
      %dma_wait3A_81 = arith.constant 0 : i32
      %dma_wait3A_82 = tpu.memref_slice %arg4[%add3A_62, %dma_wait3A_80, %dma_wait3A_81] : memref<1280x8x768xf32, #tpu.memory_space<hbm>> -> memref<8x8x768xf32, #tpu.memory_space<hbm>>
      tpu.wait_dma2 semaphore(%run_scoped3A : memref<!tpu.dma_semaphore, #tpu.memory_space<semaphore_mem>>) src(%arg7 : memref<8x8x768xf32, #tpu.memory_space<vmem>>) dst(%dma_wait3A_82 : memref<8x8x768xf32, #tpu.memory_space<hbm>>)
      tpu.yield
    }) : () -> ()
    %dma_wait3A_63 = arith.constant 32 : i32
    %dma_wait3A_64 = tpu.memref_slice %arg5[%dma_wait3A_63] : memref<128xi32, #tpu.memory_space<vmem>> -> memref<8xi32, #tpu.memory_space<vmem>>
    %dma_wait3A_65 = arith.constant 0 : i32
    %dma_wait3A_66 = arith.constant 0 : i32
    %dma_wait3A_67 = arith.constant 0 : i32
    %dma_wait3A_68 = tpu.memref_slice %arg2[%dma_wait3A_65, %dma_wait3A_66, %dma_wait3A_67] : memref<8192x8x768xf32, #tpu.memory_space<hbm>> -> memref<8192x8x768xf32, #tpu.memory_space<hbm>>
    tpu.wait_indirect_dma semaphore(%arg8 : memref<!tpu.dma_semaphore, #tpu.memory_space<semaphore_mem>>) src(%dma_wait3A_68 : memref<8192x8x768xf32, #tpu.memory_space<hbm>>) dst(%arg6 : memref<8x8x768xf32, #tpu.memory_space<vmem>>)
    %add3A_69 = arith.constant 32 : i32
    %add3A_70 = arith.addi %mul3A_2, %add3A_69 : i32
    "tpu.region"() ({
      %run_scoped3A = tpu.sem_alloc : memref<!tpu.dma_semaphore, #tpu.memory_space<semaphore_mem>>
      %dma_start3A_71 = arith.constant 0 : i32
      %dma_start3A_72 = arith.constant 0 : i32
      %dma_start3A_73 = tpu.memref_slice %arg4[%add3A_70, %dma_start3A_71, %dma_start3A_72] : memref<1280x8x768xf32, #tpu.memory_space<hbm>> -> memref<8x8x768xf32, #tpu.memory_space<hbm>>
      %dma_start3A_74 = arith.constant 0 : i32
      %dma_start3A_75 = arith.constant 0 : i32
      %dma_start3A_76 = tpu.memref_slice %arg4[%add3A_70, %dma_start3A_74, %dma_start3A_75] : memref<1280x8x768xf32, #tpu.memory_space<hbm>> -> memref<8x8x768xf32, #tpu.memory_space<hbm>>
      tpu.enqueue_dma source(%arg6 : memref<8x8x768xf32, #tpu.memory_space<vmem>>) target(%dma_start3A_76 : memref<8x8x768xf32, #tpu.memory_space<hbm>>) target_semaphore(%run_scoped3A : memref<!tpu.dma_semaphore, #tpu.memory_space<semaphore_mem>>)
      %dma_wait3A_77 = arith.constant 0 : i32
      %dma_wait3A_78 = arith.constant 0 : i32
      %dma_wait3A_79 = tpu.memref_slice %arg4[%add3A_70, %dma_wait3A_77, %dma_wait3A_78] : memref<1280x8x768xf32, #tpu.memory_space<hbm>> -> memref<8x8x768xf32, #tpu.memory_space<hbm>>
      %dma_wait3A_80 = arith.constant 0 : i32
      %dma_wait3A_81 = arith.constant 0 : i32
      %dma_wait3A_82 = tpu.memref_slice %arg4[%add3A_70, %dma_wait3A_80, %dma_wait3A_81] : memref<1280x8x768xf32, #tpu.memory_space<hbm>> -> memref<8x8x768xf32, #tpu.memory_space<hbm>>
      tpu.wait_dma2 semaphore(%run_scoped3A : memref<!tpu.dma_semaphore, #tpu.memory_space<semaphore_mem>>) src(%arg6 : memref<8x8x768xf32, #tpu.memory_space<vmem>>) dst(%dma_wait3A_82 : memref<8x8x768xf32, #tpu.memory_space<hbm>>)
      tpu.yield
    }) : () -> ()
    return
  }
}

module attributes {stable_mosaic.version = 14 : i64} {
  func.func @_mean_tc_body(%arg0: i32, %arg1: memref<4x4x197x768xf32, #tpu.memory_space<vmem>>, %arg2: memref<16x768xf32, #tpu.memory_space<vmem>>) attributes {dimension_semantics = [#tpu.dimension_semantics<arbitrary>], iteration_bounds = array<i64: 8>, scalar_prefetch = 0 : i64, scratch_operands = 0 : i64, tpu.core_type = #tpu.core_type<tc>, window_params = [{transform_indices = @transform_0, window_bounds = array<i64: 4, 4, 197, 768>}, {transform_indices = @transform_1, window_bounds = array<i64: 16, 768>}]} {
    %get3A = arith.constant 0 : index
    %get3A_0 = arith.constant 0 : index
    %get3A_1 = arith.constant 0 : index
    %get3A_2 = arith.constant 0 : index
    %get3A_3 = vector.load %arg1[%get3A, %get3A_0, %get3A_1, %get3A_2] : memref<4x4x197x768xf32, #tpu.memory_space<vmem>>, vector<4x4x197x768xf32>
    %reshape3A = vector.shape_cast %get3A_3 : vector<4x4x197x768xf32> to vector<16x197x768xf32>
    %reduce_sum3A = arith.constant dense<0.000000e+00> : vector<16x768xf32>
    %reduce_sum3A_4 = vector.multi_reduction <add>, %reshape3A, %reduce_sum3A [1] : vector<16x197x768xf32> to vector<16x768xf32>
    %mul3A = arith.constant 0.00507614203 : f32
    %mul3A_5 = vector.broadcast %mul3A : f32 to vector<16x768xf32>
    %mul3A_6 = arith.mulf %reduce_sum3A_4, %mul3A_5 : vector<16x768xf32>
    %swap3A = arith.constant 0 : index
    %swap3A_7 = arith.constant 0 : index
    %swap3A_8 = vector.load %arg2[%swap3A, %swap3A_7] : memref<16x768xf32, #tpu.memory_space<vmem>>, vector<16x768xf32>
    tpu.vector_store %arg2[%swap3A, %swap3A_7], %mul3A_6 {strides = array<i32>} : memref<16x768xf32, #tpu.memory_space<vmem>>, vector<16x768xf32>,
    return
  }
  func.func @transform_0(%arg0: i32) -> (i32, i32, i32, i32) {
    %add3A = arith.constant 8 : i32
    %add3A_0 = arith.addi %arg0, %add3A : i32
    %c0_i32 = arith.constant 0 : i32
    %c0_i32_1 = arith.constant 0 : i32
    %c0_i32_2 = arith.constant 0 : i32
    %c0_i32_3 = arith.constant 0 : i32
    return %add3A_0, %c0_i32, %c0_i32_1, %c0_i32_2 : i32, i32, i32, i32
  }
  func.func @transform_1(%arg0: i32) -> (i32, i32) {
    %c0_i32 = arith.constant 0 : i32
    %c0_i32_0 = arith.constant 0 : i32
    return %arg0, %c0_i32 : i32, i32
  }
}

</mosaic_0001>

<sc_bundles>
// kernel: kernel.4.cloned.1.call-start
scs
__scs_entry_jumppad:
0x0: {  	(pc) =	sbr.rel $0x88, $3  }
0x1: {  	(tag) =	ssettag $0x0;
	lr =	simm.s32 $0x1  }
0x2: {  	[smem:$0x3F9F] =	sst lr;
	_ =	strace $0xD0000000  }
0x3: {  	_ = 	snop  }
0x4: {  	_ = 	snop  }
0x5: {  	_ = 	snop  }
0x6: {  	_ = 	snop  }
0x7: {  	_ = 	snop  }
__scs_overlays_trampoline_lowered:
0x8: {  	[smem:$0x3FAE] =	sst s0  }
0x9: {  	[smem:$0x3FAF] =	sst s1  }
0xa: {  	[smem:$0x3FB0] =	sst s2  }
0xb: {  	[smem:$0x3FB1] =	sst s3  }
0xc: {  	[smem:$0x3FB2] =	sst s4  }
0xd: {  	[smem:$0x3FB3] =	sst s5  }
0xe: {  	[smem:$0x3FB4] =	sst s6  }
0xf: {  	[smem:$0x3FB5] =	sst s7  }
0x10: {  	[smem:$0x3FB6] =	sst s8  }
0x11: {  	[smem:$0x3FB7] =	sst s9;
	s0 =	simm.s32 @!p0 $0x0  }
0x12: {  	s1 =	sld [smem:$0x3F9D];
	s0 =	simm.s32 @p0 $0x1  }
0x13: {  	[smem:$0x3FB8] =	sst s0;
	s0 =	simm.s32 @!p1 $0x0  }
0x14: {  	s2 =	sld [smem:$0x3F9C];
	s0 =	simm.s32 @p1 $0x1  }
0x15: {  	[smem:$0x3FB9] =	sst s0;
	s0 =	simm.s32 @!p2 $0x0  }
0x16: {  	s3 =	sld [smem:$0x3FDB];
	s0 =	simm.s32 @p2 $0x1  }
0x17: {  	s4 =	simm.s32 $0x1BF5;
	[smem:$0x3FBB] =	sst s0  }
0x18: {  	s0 =	sld [smem:$0x3F9E];
	_ =	swait.ge [sflag:s4], $0x0  }
0x19: {  	s7 =	sld [smem:$0x3F9F]  }
0x1a: {  	s8 =	sadd.s32 $0xFFFFE003, lr  }
0x1b: {  	s9 =	sadd.s32 $0xFFFFFEF7, lr;
	s5 =	simm.s32 $0xFFFFFFFF;
	p2 =	slt.u32 s8, $0xFFFFF086  }
0x1c: {  	p1 =	slt.u32 s9, $0xF7A;
	s5 =	simm.s32 @!p2 $0x0  }
0x1d: {  	s5 =	simm.s32 @p1 $0x1;
	p0 =	seq.s32 s7, s2  }
0x1e: {  	s7 =	smul.u32 @!p0 $0xF7A, s2;
	p2 =	seq.s32 @!p0 s5, $0x0  }
0x1f: {  	s9 =	smul.u32 $0xF7A, s1;
	s8 =	simm.s32 @!p0 $0x1BF5;
	p2 =	por !p2, p0  }
0x20: {  	[sflag:s8] =	ssyncset.s32 @!p0 $0xFFFFF086;
	s6 =	sadd.s32 @!p0 s3, s7;
	s7 =	simm.s32 @!p0 $0x108  }
0x21: {  	s3 =	sadd.s32 s3, s9;
	s6 =	sadd.s32 @!p0 $0x88, s6;
	s7 =	simm.s32 @p2 $0x1082  }
0x22: {  	[simem:s7], [sflag:s8] =	dma.local @!p0 [hbm:s6], $0xF7A  }
0x23: {  	s9 =	sor.u32 $0xD0000000, s2;
	s6 =	simm.s32 $0x108;
	_ =	swait.ge @!p0 [sflag:s8], $0x0  }
0x24: {  	s3 =	sadd.s32 $0x88, s3;
	s6 =	simm.s32 @!p1 $0x1082;
	[sflag:s4] =	ssyncset.s32 $0xFFFFF086  }
0x25: {  	[simem:s6], [sflag:s4] =	dma.local [hbm:s3], $0xF7A  }
0x26: {  	[smem:$0x3F9F] =	sst s1;
	(tag) =	ssettag s2;
	_ =	strace s9  }
0x27: {  	s1 =	sld [smem:$0x3FAF]  }
0x28: {  	s2 =	sld [smem:$0x3FB0]  }
0x29: {  	s4 =	sld [smem:$0x3FB2]  }
0x2a: {  	p0 =	seq.s32 s5, $0x0;
	s5 =	sld [smem:$0x3FB3]  }
0x2b: {  	s6 =	sld [smem:$0x3FB4]  }
0x2c: {  	s7 =	sld [smem:$0x3FB5]  }
0x2d: {  	s3 =	simm.s32 $0x108;
	s8 =	sld [smem:$0x3FB6]  }
0x2e: {  	s3 =	simm.s32 @!p0 $0x1082;
	s9 =	sld [smem:$0x3FB7]  }
0x2f: {  	lr =	sadd.s32 s0, s3;
	s0 =	sld [smem:$0x3FAE]  }
0x30: {  	s3 =	sld [smem:$0x3FB1]  }
0x31: {  	[smem:$0x3FBA] =	sst s10  }
0x32: {  	s10 =	sld [smem:$0x3FB8];
	_ =	sdelay $0x3  }
0x33: {  	p0 =	seq.s32 s10, $0x1;
	s10 =	sld [smem:$0x3FBA];
	_ =	sdelay $0x3  }
0x34: {  	[smem:$0x3FBA] =	sst s10  }
0x35: {  	s10 =	sld [smem:$0x3FB9];
	_ =	sdelay $0x3  }
0x36: {  	p1 =	seq.s32 s10, $0x1;
	s10 =	sld [smem:$0x3FBA];
	_ =	sdelay $0x3  }
0x37: {  	[smem:$0x3FBA] =	sst s10  }
0x38: {  	s10 =	sld [smem:$0x3FBB]  }
0x39: {  	_ = 	snop;
	(pc) =	sbr.ind lr, $3  }
0x3a: {  	_ = 	snop  }
0x3b: {  	_ = 	snop  }
0x3c: {  	p2 =	seq.s32 s10, $0x1;
	s10 =	sld [smem:$0x3FBA]  }
0x3d: {  	_ =	shalt  }
0x3e: {  	_ =	shalt  }
0x3f: {  	_ =	shalt  }
0x40: {  	_ =	shalt  }
0x41: {  	_ =	shalt  }
0x42: {  	_ =	shalt  }
0x43: {  	_ =	shalt  }
0x44: {  	_ =	shalt  }
0x45: {  	_ =	shalt  }
0x46: {  	_ =	shalt  }
0x47: {  	_ =	shalt  }
0x48: {  	_ =	shalt  }
0x49: {  	_ =	shalt  }
0x4a: {  	_ =	shalt  }
0x4b: {  	_ =	shalt  }
0x4c: {  	_ =	shalt  }
0x4d: {  	_ =	shalt  }
0x4e: {  	_ =	shalt  }
0x4f: {  	_ =	shalt  }
0x50: {  	_ =	shalt  }
0x51: {  	_ =	shalt  }
0x52: {  	_ =	shalt  }
0x53: {  	_ =	shalt  }
0x54: {  	_ =	shalt  }
0x55: {  	_ =	shalt  }
0x56: {  	_ =	shalt  }
0x57: {  	_ =	shalt  }
0x58: {  	_ =	shalt  }
0x59: {  	_ =	shalt  }
0x5a: {  	_ =	shalt  }
0x5b: {  	_ =	shalt  }
0x5c: {  	_ =	shalt  }
0x5d: {  	_ =	shalt  }
0x5e: {  	_ =	shalt  }
0x5f: {  	_ =	shalt  }
0x60: {  	_ =	shalt  }
0x61: {  	_ =	shalt  }
0x62: {  	_ =	shalt  }
0x63: {  	_ =	shalt  }
0x64: {  	_ =	shalt  }
0x65: {  	_ =	shalt  }
0x66: {  	_ =	shalt  }
0x67: {  	_ =	shalt  }
0x68: {  	_ =	shalt  }
0x69: {  	_ =	shalt  }
0x6a: {  	_ =	shalt  }
0x6b: {  	_ =	shalt  }
0x6c: {  	_ =	shalt  }
0x6d: {  	_ =	shalt  }
0x6e: {  	_ =	shalt  }
0x6f: {  	_ =	shalt  }
0x70: {  	_ =	shalt  }
0x71: {  	_ =	shalt  }
0x72: {  	_ =	shalt  }
0x73: {  	_ =	shalt  }
0x74: {  	_ =	shalt  }
0x75: {  	_ =	shalt  }
0x76: {  	_ =	shalt  }
0x77: {  	_ =	shalt  }
0x78: {  	_ =	shalt  }
0x79: {  	_ =	shalt  }
0x7a: {  	_ =	shalt  }
0x7b: {  	_ =	shalt  }
0x7c: {  	_ =	shalt  }
0x7d: {  	_ =	shalt  }
0x7e: {  	_ =	shalt  }
0x7f: {  	_ =	shalt  }
0x80: {  	_ =	shalt  }
0x81: {  	_ =	shalt  }
0x82: {  	_ =	shalt  }
0x83: {  	_ =	shalt  }
0x84: {  	_ =	shalt  }
0x85: {  	_ =	shalt  }
0x86: {  	_ =	shalt  }
0x87: {  	_ =	shalt  }
.Lfunc_end0:
.L_simem_size_0:
called_computation_lowered:
.L_overlay_start_0:
0x88: {  	s2 =	sld [smem:$0x3FD9]  }
0x89: {  	s3 =	sld [smem:$0x3FFE];
	_ =	sdelay $0x1  }
0x8a: {  	s1 =	srdreg.scid  }
0x8b: {  	s0 =	sand.u32 $0x1, s1  }
0x8c: {  	s14 =	sshll.u32 s0, $0xA;
	s2 =	sadd.s32 s3, s2  }
0x8d: {  	s2 =	sadd.s32 s2, s14  }
0x8e: {  	[smem:$0x3FC6] =	sst s2  }
0x8f: {  	_ = 	snop  }
0x90: {  	s2 =	sld [smem:$0x3FD0];
	_ =	sdelay $0x2  }
0x91: {  	s4 =	simm.s32 $0xA;
	s5 =	simm.s32 $0x10;
	s15 =	sld [smem:$0x3FC8]  }
0x92: {  	[smem:s5], [sflag:s4] =	dma.local [hbm:s2], $0x1  }
0x93: {  	_ =	swait.eq [sflag:s4], $0x1  }
0x94: {  	[sflag:s4] =	ssyncset.done $0x0  }
0x95: {  	[sflag:s4] =	ssyncadd.s32 $0xFFFFFFFF  }
0x96: {  	s16 =	sld [smem:$0x10];
	(tm) =	ssettm $0x1  }
0x97: {  	s17 =	sld [smem:$0x3FFB];
	_ =	sdelay $0x3  }
0x98: {  	_ =	strace s17  }
0x99: {  	s4 =	sld [smem:$0x3FFC];
	_ =	sdelay $0x3  }
0x9a: {  	_ =	strace s4  }
0x9b: {  	s4 =	sld [smem:$0x3FFD];
	_ =	sdelay $0x3  }
0x9c: {  	_ =	strace s4  }
0x9d: {  	_ =	strace $0x8FFFFFFF  }
0x9e: {  	s18 =	sld [smem:$0x3FDB];
	_ =	sdelay $0x1  }
0x9f: {  	s19 =	simm.s32 $_scs_section_size  }
0xa0: {  	s6 =	simm.s32 $_size__tile_overlayer_lowered;
	s7 =	simm.s32 $_tile_overlayer_lowered  }
0xa1: {  	s22 =	simm.s32 $0x1BFF;
	s21 =	sshll.u32 s7, $0x1;
	s4 =	sadd.s32 s19, s18  }
0xa2: {  	s8 =	simm.s32 $0x0;
	s20 =	sshll.u32 s6, $0x1;
	s6 =	sadd.s32 s21, s4  }
0xa3: {  	[timem:s8], [sflag:s22] =	dma.local [hbm:s6], s20  }
0xa4: {  	_ =	swait.ge [sflag:s22], s20  }
0xa5: {  	s5 =	ssub.s32 $0x0, s20;
	[sflag:s22] =	ssyncset.done $0x0  }
0xa6: {  	[sflag:s22] =	ssyncadd.s32 s5;
	_ =	sdelay $0x1  }
0xa7: {  	s23 =	simm.s32 $0x1B8B  }
0xa8: {  	_ =	swait.ge [sflag:s23], $0x1  }
0xa9: {  	[sflag:s23] =	ssyncset.done $0x0  }
0xaa: {  	s25 =	simm.s32 $0x1B8E;
	s24 =	sld [smem:$0x3FFE];
	[sflag:s23] =	ssyncadd.s32 $0xFFFFFFFF  }
0xab: {  	s26 =	simm.s32 $execute0_lowered;
	[smem:$0x3FD2] =	sst s25  }
0xac: {  	s6 =	sshll.u32 s26, $0x1;
	_ =	strace $0x80000046;
	[dreg:$0x1] =	wrdreg $0xFFFFFFFF  }
0xad: {  	s28 =	simm.s32 $_size_execute0_lowered;
	s4 =	sadd.s32 s4, s6;
	[dreg:$0x0] =	wrdreg $0x0  }
0xae: {  	s6 =	sshll.u32 s28, $0x1;
	[dreg:$0x2] =	wrdreg s4  }
0xaf: {  	[dreg:$0x3] =	wrdreg s6  }
0xb0: {  	[dreg:$0x4] =	wrdreg $0xC0  }
0xb1: {  	_ =	task [dreg:s8], $0x5FFFF  }
0xb2: {  	[dreg:$0x1] =	wrdreg $0xFFFFFFFF  }
0xb3: {  	[dreg:$0x0] =	wrdreg $0x60  }
0xb4: {  	[dreg:$0x2] =	wrdreg s15  }
0xb5: {  	[dreg:$0x3] =	wrdreg s24  }
0xb6: {  	[dreg:$0x4] =	wrdreg s16  }
0xb7: {  	[dreg:$0x5] =	wrdreg $0x9  }
0xb8: {  	_ =	task.clear_ibuf [dreg:s8], $0x6FFFF;
	_ =	strace $0x90000046  }
0xb9: {  	s29 =	simm.s32 $0x9;
	_ =	strace $0x80000048  }
0xba: {  	_ =	swait.ge [sflag:s29], $0x1  }
0xbb: {  	[sflag:s29] =	ssyncadd.s32 $0xFFFFFFFF  }
0xbc: {  	_ =	strace $0x90000048  }
0xbd: {  	_ =	sfence  }
0xbe: {  	s30 =	sld [smem:$0x0];
	_ =	sdelay $0x2  }
0xbf: {  	s31 =	sshll.u32 s1, $0xD;
	s1 =	sshrl.u32 s1, $0x2  }
0xc0: {  	s3 =	sand.u32 $0x4000, s31;
	s1 =	sadd.s32 s1, s30  }
0xc1: {  	s0 =	sor.u32 s3, s0;
	s1 =	sshll.u32 s1, $0x11  }
0xc2: {  	s0 =	sor.u32 s1, s0  }
0xc3: {  	s0 =	sadd.s32 $0x8F2B, s0  }
0xc4: {  	[sflag:s0] =	ssyncadd.remote.s32 $0x1  }
0xc5: {  	_ =	sfence.sel $0xFFFF  }
0xc6: {  	[dreg:$0x0] =	wrdreg $0xFFFFFFFF;
	(pc) =	sbr.abs _section_cstart, $3  }
0xc7: {  	[dreg:$0x1] =	wrdreg $0xFFFFFFFF  }
0xc8: {  	_ =	task.clear_ibuf [dreg:s8], $0x2FFFF;
	_ =	strace $0x9FFFFFFF  }
0xc9: {  	(tm) =	ssettm $0x7FFFFFFF  }
tec
execute0_lowered:
.L_overlay_start_1:
0x0: {  	(tag) =	ssettag $0x1  }
0x1: {  	s1 =	rddreg [dreg:$0x0]  }
0x2: {  	s4 =	rddreg [dreg:$0x1];
	s2 =	srdreg.scid  }
0x3: {  	s0 =	stileid.u32;
	s5 =	rddreg [dreg:$0x2];
	s3 =	simm.s32 $0x0  }
0x4: {  	s11 =	simm.s32 $0x3;
	s12 =	simm.s32 $0x80;
	s13 =	simm.s32 $0xC080  }
0x5: {  	s14 =	simm.s32 $0x1;
	s6 =	sand.u32 $0x1, s2;
	s7 =	sshll.u32 s0, $0x1  }
0x6: {  	s15 =	simm.s32 $0x2;
	s2 =	rddreg [dreg:$0x3];
	s7 =	sor.u32 s6, s7  }
0x7: {  	[smem:$0x7FF] =	sst s3;
	s6 =	ssub.s32 $0x2, s6;
	s8 =	smul.u32 $0x3C000, s7  }
0x8: {  	_ =	strace $0x80000047;
	s9 =	sshll.u32 s7, $0x4;
	s10 =	sshrl.u32 s6, $0x1  }
0x9: {  	s7 =	smul.u32 $0x7800, s7;
	s4 =	sadd.s32 s9, s4;
	s8 =	sshrl.u32 s8, $0x3  }
0xa: {  	s10 =	ssub.s32 s6, s10;
	s4 =	sadd.s32 $0x400, s4;
	s31 =	sadd.s32 s5, s8  }
0xb: {  	s10 =	smax.u32 s10, $0x1;
	s5 =	sadd.s32 s5, s7;
	s6 =	sadd.s32 $0x1800, s31  }
0xc: {  	vm0 =	vmmov $0xff;
	v0 =	vlaneseq.u32;
	s7 =	sadd.s32 $0x3000, s31;
	s8 =	sadd.s32 $0x4800, s31;
	s9 =	sadd.s32 $0x6000, s31  }
.LBB2_1:
0xd: {  	[tilespmem:s3], [sflag:$0x3] =	stream.linear.gather [hbm4b:s4+s3], $0x80, $0x38;
	[tilespmem:$0x18080] =	vst v63  }
0xe: {  	_ =	swait.ge [sflag:s11], $0x80  }
0xf: {  	[sflag:s11] =	ssyncset.done $0x0  }
0x10: {  	[sflag:s11] =	ssyncadd.s32 $0xFFFFFF80  }
0x11: {  	v1 =	vld.msk [tilespmem:$0x0], $0xff;
	_ =	sdelay $0x4  }
0x12: {  	v1 =	vmul.u32 $0x1800, v1;
	_ =	sdelay $0x1  }
0x13: {  	v1 =	vperm.xlane v1, v0;
	_ =	sdelay $0x5  }
0x14: {  	[tilespmem:s12], [sflag:$0x1] =	stream.indirect_vreg.gather [hbm4b:s1+s3], $0x1800, v1, vm0, $0x38;
	[tilespmem:$0x18080] =	vst v63  }
0x15: {  	v1 =	vld.msk [tilespmem:$0x8], $0xff;
	_ =	sdelay $0x4  }
0x16: {  	v1 =	vmul.u32 $0x1800, v1;
	_ =	sdelay $0x1  }
0x17: {  	v1 =	vperm.xlane v1, v0;
	_ =	sdelay $0x5  }
0x18: {  	[tilespmem:s13], [sflag:$0x2] =	stream.indirect_vreg.gather [hbm4b:s1+s3], $0x1800, v1, vm0, $0x38;
	[tilespmem:$0x18080] =	vst v63  }
0x19: {  	_ =	swait.ge [sflag:s14], $0xC000  }
0x1a: {  	[sflag:s14] =	ssyncset.done $0x0  }
0x1b: {  	[sflag:s14] =	ssyncadd.s32 $0xFFFF4000  }
0x1c: {  	[hbm4b:s5+s3] =	stream.linear.scatter [tilespmem:s12], [sflag:$0x3], $0xC000, $0x38;
	[tilespmem:$0x18080] =	vst v63  }
0x1d: {  	_ =	swait.ge [sflag:s11], $0xC000  }
0x1e: {  	[sflag:s11] =	ssyncset.done $0x0  }
0x1f: {  	[sflag:s11] =	ssyncadd.s32 $0xFFFF4000  }
0x20: {  	v1 =	vld.msk [tilespmem:$0x10], $0xff;
	_ =	sdelay $0x4  }
0x21: {  	v1 =	vmul.u32 $0x1800, v1;
	_ =	sdelay $0x1  }
0x22: {  	v1 =	vperm.xlane v1, v0;
	_ =	sdelay $0x5  }
0x23: {  	[tilespmem:s12], [sflag:$0x1] =	stream.indirect_vreg.gather [hbm4b:s1+s3], $0x1800, v1, vm0, $0x38;
	[tilespmem:$0x18080] =	vst v63  }
0x24: {  	_ =	swait.ge [sflag:s15], $0xC000  }
0x25: {  	[sflag:s15] =	ssyncset.done $0x0  }
0x26: {  	[sflag:s15] =	ssyncadd.s32 $0xFFFF4000  }
0x27: {  	[hbm4b:s6+s3] =	stream.linear.scatter [tilespmem:s13], [sflag:$0x3], $0xC000, $0x38;
	[tilespmem:$0x18080] =	vst v63  }
0x28: {  	_ =	swait.ge [sflag:s11], $0xC000  }
0x29: {  	[sflag:s11] =	ssyncset.done $0x0  }
0x2a: {  	[sflag:s11] =	ssyncadd.s32 $0xFFFF4000  }
0x2b: {  	v1 =	vld.msk [tilespmem:$0x18], $0xff;
	_ =	sdelay $0x4  }
0x2c: {  	v1 =	vmul.u32 $0x1800, v1;
	_ =	sdelay $0x1  }
0x2d: {  	v1 =	vperm.xlane v1, v0;
	_ =	sdelay $0x5  }
0x2e: {  	[tilespmem:s13], [sflag:$0x2] =	stream.indirect_vreg.gather [hbm4b:s1+s3], $0x1800, v1, vm0, $0x38;
	[tilespmem:$0x18080] =	vst v63  }
0x2f: {  	_ =	swait.ge [sflag:s14], $0xC000  }
0x30: {  	[sflag:s14] =	ssyncset.done $0x0  }
0x31: {  	[sflag:s14] =	ssyncadd.s32 $0xFFFF4000  }
0x32: {  	[hbm4b:s7+s3] =	stream.linear.scatter [tilespmem:s12], [sflag:$0x3], $0xC000, $0x38;
	[tilespmem:$0x18080] =	vst v63  }
0x33: {  	_ =	swait.ge [sflag:s11], $0xC000  }
0x34: {  	[sflag:s11] =	ssyncset.done $0x0  }
0x35: {  	[sflag:s11] =	ssyncadd.s32 $0xFFFF4000  }
0x36: {  	v1 =	vld.msk [tilespmem:$0x20], $0xff;
	_ =	sdelay $0x4  }
0x37: {  	v1 =	vmul.u32 $0x1800, v1;
	_ =	sdelay $0x1  }
0x38: {  	v1 =	vperm.xlane v1, v0;
	_ =	sdelay $0x5  }
0x39: {  	[tilespmem:s12], [sflag:$0x1] =	stream.indirect_vreg.gather [hbm4b:s1+s3], $0x1800, v1, vm0, $0x38;
	[tilespmem:$0x18080] =	vst v63  }
0x3a: {  	_ =	swait.ge [sflag:s15], $0xC000  }
0x3b: {  	[sflag:s15] =	ssyncset.done $0x0  }
0x3c: {  	[sflag:s15] =	ssyncadd.s32 $0xFFFF4000  }
0x3d: {  	[hbm4b:s8+s3] =	stream.linear.scatter [tilespmem:s13], [sflag:$0x3], $0xC000, $0x38;
	[tilespmem:$0x18080] =	vst v63  }
0x3e: {  	_ =	swait.ge [sflag:s11], $0xC000  }
0x3f: {  	[sflag:s11] =	ssyncset.done $0x0  }
0x40: {  	[sflag:s11] =	ssyncadd.s32 $0xFFFF4000  }
0x41: {  	_ =	swait.ge [sflag:s14], $0xC000  }
0x42: {  	p0 =	sne.s32 s10, $0x1;
	[sflag:s14] =	ssyncset.done $0x0  }
.Ltmp0:
0x43: {  	[sflag:s14] =	ssyncadd.s32 $0xFFFF4000;
	(pc) =	sbr.rel @p0 .LBB2_1-.Ltmp0, $4  }
0x44: {  	[hbm4b:s9+s3] =	stream.linear.scatter [tilespmem:s12], [sflag:$0x3], $0xC000, $0x38;
	[tilespmem:$0x18080] =	vst v63  }
0x45: {  	_ =	swait.ge [sflag:s11], $0xC000  }
0x46: {  	[sflag:s11] =	ssyncset.done $0x0  }
0x47: {  	s10 =	sadd.s32 $0xFFFFFFFF, s10;
	[sflag:s11] =	ssyncadd.s32 $0xFFFF4000  }
0x48: {  	_ =	sfence.sel $0x180000  }
0x49: {  	[bflag:$0x0] =	sbarrier.arrive $0xFFFF  }
0x4a: {  	p0 =	sne.s32 s0, $0x0;
	_ =	strace $0x90000047  }
0x4b: {  	s0 =	sadd.s32 @!p0 $0x100000, s2;
	[bflag:$0x2] =	sbarrier.arrive $0xFFFF  }
0x4c: {  	[sflag:s0] =	ssyncadd.tile.s32 @!p0 $0x1;
	_ =	shalt  }
.Lfunc_end2:
_tile_overlayer_lowered:
.L_overlay_start_2:
0x4d: {  	(tag) =	ssettag $0x2  }
0x4e: {  	s0 =	rddreg [dreg:$0x0];
	s2 =	stileid.u32  }
0x4f: {  	s1 =	rddreg [dreg:$0x1];
	p0 =	sne.s32 s2, $0x0  }
0x50: {  	s3 =	rddreg [dreg:$0x2];
	[bflag:$0x3] =	sbarrier.arrive $0xFFFF;
	s2 =	simm.s32 @!p0 $0x1C03  }
0x51: {  	[timem:s3], [sflag:s2] =	dma.local @!p0 [hbm:s0], s1  }
0x52: {  	s0 =	simm.s32 @!p0 $0x3  }
0x53: {  	_ =	swait.ge @!p0 [sflag:s0], s1  }
0x54: {  	s1 =	ssub.s32 @!p0 $0x0, s1;
	[sflag:s0] =	ssyncset.done @!p0 $0x0  }
0x55: {  	[sflag:s0] =	ssyncadd.s32 @!p0 s1  }
0x56: {  	[bflag:$0x3] =	sbarrier.arrive $0xFFFF  }
0x57: {  	_ =	shalt  }

</sc_bundles>
